<compile_context>
chip_gen: v7x
topology: tpu7x:2x2x1
jax: 0.10.2.dev20260603
libtpu: 0.0.44.dev20260713+nightly
codegen_flags: <defaults>
</compile_context>

<pallas_src>
import functools

import jax
import jax.numpy as jnp
from jax import lax
from jax.experimental import pallas as pl
from jax.experimental.pallas import tpu as pltpu
from jax.experimental.pallas import tpu_sc as plsc

N = 8192
D = 2048
E = 64
K = 8
CAP = float(int(1.25 * N / E))

EPAD = 128
TILE = 1024
NBLK = N // TILE
NEG = -1e30

NC = 2
NS = 16
NW = NC * NS
ROWS_PER_W = N // NW
CH = 32
NCHUNK = ROWS_PER_W // CH
LANES = 16


@functools.partial(
    pl.kernel,
    mesh=plsc.VectorSubcoreMesh(core_axis_name="c", subcore_axis_name="s"),
    out_type=jax.ShapeDtypeStruct((N, D), jnp.float32),
    scratch_types=[pltpu.VMEM((CH, D), jnp.float32),
                   pltpu.SemaphoreType.DMA],
)
def _zeros_sc(out_hbm, zbuf, sem):
    wid = lax.axis_index("s") * NC + lax.axis_index("c")

    def zrow(i, carry):
        r = i // (D // LANES)
        c = i % (D // LANES)
        zbuf[r, pl.ds(c * LANES, LANES)] = jnp.zeros((LANES,), jnp.float32)
        return carry

    lax.fori_loop(0, CH * (D // LANES), zrow, 0)

    base = wid * ROWS_PER_W

    for j in range(NCHUNK):
        pltpu.async_copy(zbuf, out_hbm.at[pl.ds(base + j * CH, CH)], sem)
    for j in range(NCHUNK):
        pltpu.make_async_copy(
            zbuf, out_hbm.at[pl.ds(base + j * CH, CH)], sem).wait()


def _router_body(x_ref, wrt_ref, br_ref, pcounts_ref, pconf_ref):
    logits = jnp.dot(x_ref[...], wrt_ref[...],
                     preferred_element_type=jnp.float32) + br_ref[...]

    m = jnp.max(logits, axis=1, keepdims=True)
    pconf_ref[...] = jnp.sum(m).reshape(1, 1, 1)
    vals = logits
    for _ in range(K - 1):
        vals = jnp.where(vals >= m, jnp.float32(NEG), vals)
        m = jnp.max(vals, axis=1, keepdims=True)
    member = (logits >= m).astype(jnp.float32)
    pcounts_ref[...] = jnp.sum(member, axis=0).reshape(1, 1, EPAD)


def _stats_body(pcounts_ref, pconf_ref, loss_ref, dist_ref, conf_ref):
    counts = jnp.sum(pcounts_ref[...], axis=(0, 1)).reshape(1, EPAD)
    load = jnp.minimum(counts, jnp.float32(CAP))
    s = jnp.sum(load)
    dist = load / (s + jnp.float32(1e-8))
    dist_ref[...] = dist
    loss_ref[...] = jnp.sum(dist * jnp.log(dist + jnp.float32(1e-8))).reshape(1, 1)
    conf_ref[...] = jnp.sum(pconf_ref[...]).reshape(1, 1) * jnp.float32(1.0 / N)


def kernel(x, Wr, br, W1, b1, W2, b2):
    del W1, b1, W2, b2
    wrt = jnp.pad(Wr.T, ((0, 0), (0, EPAD - E)))
    brp = jnp.pad(br.reshape(1, E), ((0, 0), (0, EPAD - E)),
                  constant_values=NEG)

    pcounts, pconf = pl.pallas_call(
        _router_body,
        grid=(NBLK,),
        in_specs=[
            pl.BlockSpec((TILE, D), lambda i: (i, 0)),
            pl.BlockSpec((D, EPAD), lambda i: (0, 0)),
            pl.BlockSpec((1, EPAD), lambda i: (0, 0)),
        ],
        out_specs=[
            pl.BlockSpec((1, 1, EPAD), lambda i: (i, 0, 0)),
            pl.BlockSpec((1, 1, 1), lambda i: (i, 0, 0)),
        ],
        out_shape=[
            jax.ShapeDtypeStruct((NBLK, 1, EPAD), jnp.float32),
            jax.ShapeDtypeStruct((NBLK, 1, 1), jnp.float32),
        ],
        compiler_params=pltpu.CompilerParams(
            dimension_semantics=("parallel",)),
    )(x, wrt, brp)

    out = _zeros_sc()

    loss, dist, conf = pl.pallas_call(
        _stats_body,
        out_shape=[
            jax.ShapeDtypeStruct((1, 1), jnp.float32),
            jax.ShapeDtypeStruct((1, EPAD), jnp.float32),
            jax.ShapeDtypeStruct((1, 1), jnp.float32),
        ],
    )(pcounts, pconf)

    return (out,
            loss.reshape(()),
            dist[0, :E],
            conf.reshape(()))

# --- scband reference (transcript-rebuilt; emitter-appended) ---
"""Pipeline reference for scband-sparse-mo-elayer-87342454931823 (READ-ONLY COPY).

The authoritative reference and input builder live on the scoring server;
editing this copy changes nothing except your own understanding.
"""

import jax, jax.numpy as jnp
import numpy as np

N = 8192      # tokens (batch*seq)
D = 2048      # input_dim / d_model
E = 64        # num_experts
K = 8         # top_k
H = 128       # expert hidden dim (Expert default)
CAP = int(1.25 * N / E)  # capacity per expert


def setup_inputs(seed: int = 0) -> dict:
    key = jax.random.key(seed)
    ks = jax.random.split(key, 8)
    x = jax.random.normal(ks[0], (N, D), dtype=jnp.float32)
    # Router linear: Linear(D, E)
    Wr = jax.random.normal(ks[1], (E, D), dtype=jnp.float32) * (1.0 / np.sqrt(D))
    br = jnp.zeros((E,), dtype=jnp.float32)
    # Stacked expert params: Linear(D,H) -> ReLU -> Linear(H,D) per expert
    W1 = jax.random.normal(ks[2], (E, H, D), dtype=jnp.float32) * (1.0 / np.sqrt(D))
    b1 = jnp.zeros((E, H), dtype=jnp.float32)
    W2 = jax.random.normal(ks[3], (E, D, H), dtype=jnp.float32) * (1.0 / np.sqrt(H))
    b2 = jnp.zeros((E, D), dtype=jnp.float32)
    return {"x": x, "Wr": Wr, "br": br, "W1": W1, "b1": b1, "W2": W2, "b2": b2}


def reference(x, Wr, br, W1, b1, W2, b2):
    # --- NoisyTopKRouter (eval mode: no noise; temperature = 1.0) ---
    logits = x @ Wr.T + br
    topk_vals, topk_idx = jax.lax.top_k(logits, K)
    gates = jax.nn.softmax(topk_vals, axis=-1)
    rows = jnp.arange(x.shape[0])[:, None]
    sparse_gates = jnp.zeros_like(logits).at[rows, topk_idx].set(gates)
    router_confidence = jnp.mean(jnp.max(topk_vals, axis=-1))

    # --- SparseMoELayer forward ---
    # NOTE (faithful to the torch source): the line
    #   expert_outputs[mask][:out.shape[0]] += out
    # performs an in-place add on a COPY produced by boolean advanced indexing,
    # so the original expert_outputs tensor is never modified. The expert MLPs
    # therefore do not contribute to the returned output; expert_outputs stays
    # all-zeros. We reproduce that actual behavior here.
    expert_outputs = jnp.zeros_like(x)

    # load[e] = min(#tokens routed to expert e, capacity); softmax gates are
    # strictly positive, so (gates[:, e] > 0) == (expert e in token's top-k).
    counts = jnp.sum(sparse_gates > 0, axis=0).astype(jnp.float32)
    load = jnp.minimum(counts, jnp.float32(CAP))
    load_dist = load / (load.sum() + 1e-08)
    load_loss = jnp.sum(load_dist * jnp.log(load_dist + 1e-08))

    return expert_outputs, load_loss, load_dist, router_confidence

if __name__ == "__main__":
    import jax
    _d = setup_inputs()
    print(jax.jit(kernel)(*tuple(_d.values())))

</pallas_src>

<mosaic_0001>
#map = affine_map<(d0, d1) -> (0, 0)>
module attributes {stable_mosaic.version = 14 : i64} {
  func.func @_zeros_sc(%arg0: i32, %arg1: i32, %arg2: memref<8192x2048xf32, #tpu.memory_space<hbm>>, %arg3: memref<32x2048xf32, #tpu.memory_space<vmem>>, %arg4: memref<!tpu.dma_semaphore, #tpu.memory_space<semaphore_mem>>) attributes {dimension_semantics = [#tpu.dimension_semantics<core_parallel>, #tpu.dimension_semantics<subcore_parallel>], iteration_bounds = array<i64: 2, 16>, scalar_prefetch = 0 : i64, scratch_operands = 2 : i64, tpu.core_type = #tpu.core_type<sc_vector_subcore>, window_params = [{transform_indices = #map}]} {
    %mul3A = arith.constant 2 : i32
    %mul3A_0 = arith.muli %arg1, %mul3A : i32
    %add3A = arith.addi %mul3A_0, %arg0 : i32
    %scan3A = arith.constant 0 : i32
    %scan3A_1 = arith.constant 0 : i32
    %scan3A_2 = arith.constant 4096 : i32
    %scan3A_3 = arith.addi %scan3A_1, %scan3A_2 : i32
    %scan3A_4 = arith.constant 1 : i32
    scf.for %scan3A_102 = %scan3A_1 to %scan3A_3 step %scan3A_4  : i32 {
      %jit3A = arith.constant 128 : i32
      %div3A = arith.divsi %scan3A_102, %jit3A : i32
      %sign3A = arith.constant 0 : i32
      %sign3A_103 = arith.cmpi sgt, %scan3A_102, %sign3A : i32
      %sign3A_104 = arith.extui %sign3A_103 : i1 to i32
      %sign3A_105 = arith.constant 0 : i32
      %sign3A_106 = arith.cmpi slt, %scan3A_102, %sign3A_105 : i32
      %sign3A_107 = arith.extui %sign3A_106 : i1 to i32
      %sign3A_108 = arith.subi %sign3A_104, %sign3A_107 : i32
      %sign3A_109 = arith.constant 0 : i32
      %sign3A_110 = arith.cmpi sgt, %jit3A, %sign3A_109 : i32
      %sign3A_111 = arith.extui %sign3A_110 : i1 to i32
      %sign3A_112 = arith.constant 0 : i32
      %sign3A_113 = arith.cmpi slt, %jit3A, %sign3A_112 : i32
      %sign3A_114 = arith.extui %sign3A_113 : i1 to i32
      %sign3A_115 = arith.subi %sign3A_111, %sign3A_114 : i32
      %ne3A = arith.cmpi ne, %sign3A_108, %sign3A_115 : i32
      %rem3A = arith.remsi %scan3A_102, %jit3A : i32
      %ne3A_116 = arith.constant 0 : i32
      %ne3A_117 = arith.cmpi ne, %rem3A, %ne3A_116 : i32
      %and3A = arith.andi %ne3A, %ne3A_117 : i1
      %sub3A = arith.constant 1 : i32
      %sub3A_118 = arith.subi %div3A, %sub3A : i32
      %select_n3A = arith.select %and3A, %sub3A_118, %div3A : i32
      %jit3A_119 = arith.constant 128 : i32
      %eq3A = arith.constant 0 : i32
      %eq3A_120 = arith.cmpi eq, %jit3A_119, %eq3A : i32
      %jit3A_121 = arith.constant 1 : i32
      %select_n3A_122 = arith.select %eq3A_120, %jit3A_121, %jit3A_119 : i32
      %rem3A_123 = arith.remsi %scan3A_102, %select_n3A_122 : i32
      %ne3A_124 = arith.constant 0 : i32
      %ne3A_125 = arith.cmpi ne, %rem3A_123, %ne3A_124 : i32
      %lt3A = arith.constant 0 : i32
      %lt3A_126 = arith.cmpi slt, %rem3A_123, %lt3A : i32
      %lt3A_127 = arith.constant 0 : i32
      %lt3A_128 = arith.cmpi slt, %select_n3A_122, %lt3A_127 : i32
      %ne3A_129 = arith.xori %lt3A_126, %lt3A_128 : i1
      %and3A_130 = arith.andi %ne3A_129, %ne3A_125 : i1
      %add3A_131 = arith.addi %rem3A_123, %select_n3A_122 : i32
      %select_n3A_132 = arith.select %and3A_130, %add3A_131, %rem3A_123 : i32
      %broadcast_in_dim3A = arith.constant 0.000000e+00 : f32
      %broadcast_in_dim3A_133 = vector.broadcast %broadcast_in_dim3A : f32 to vector<16xf32>
      %mul3A_134 = arith.constant 16 : i32
      %mul3A_135 = arith.muli %select_n3A_132, %mul3A_134 : i32
      %swap3A = arith.index_cast %select_n3A : i32 to index
      %swap3A_136 = arith.index_cast %mul3A_135 : i32 to index
      %swap3A_137 = tpu.vector_load %arg3[%swap3A, %swap3A_136] {strides = array<i32>} : memref<32x2048xf32, #tpu.memory_space<vmem>>, vector<1x16xf32>,
      %swap3A_138 = vector.shape_cast %swap3A_137 : vector<1x16xf32> to vector<16xf32>
      %swap3A_139 = vector.shape_cast %broadcast_in_dim3A_133 : vector<16xf32> to vector<1x16xf32>
      tpu.vector_store %arg3[%swap3A, %swap3A_136], %swap3A_139 {strides = array<i32>} : memref<32x2048xf32, #tpu.memory_space<vmem>>, vector<1x16xf32>,
    }
    %scan3A_5 = arith.constant 4096 : i32
    %mul3A_6 = arith.constant 256 : i32
    %mul3A_7 = arith.muli %add3A, %mul3A_6 : i32
    %add3A_8 = arith.constant 0 : i32
    %add3A_9 = arith.addi %mul3A_7, %add3A_8 : i32
    %dma_start3A = arith.constant 0 : i32
    %dma_start3A_10 = tpu.memref_slice %arg2[%add3A_9, %dma_start3A] : memref<8192x2048xf32, #tpu.memory_space<hbm>> -> memref<32x2048xf32, #tpu.memory_space<hbm>>
    %dma_start3A_11 = arith.constant 0 : i32
    %dma_start3A_12 = tpu.memref_slice %arg2[%add3A_9, %dma_start3A_11] : memref<8192x2048xf32, #tpu.memory_space<hbm>> -> memref<32x2048xf32, #tpu.memory_space<hbm>>
    tpu.enqueue_dma source(%arg3 : memref<32x2048xf32, #tpu.memory_space<vmem>>) target(%dma_start3A_12 : memref<32x2048xf32, #tpu.memory_space<hbm>>) target_semaphore(%arg4 : memref<!tpu.dma_semaphore, #tpu.memory_space<semaphore_mem>>)
    %add3A_13 = arith.constant 32 : i32
    %add3A_14 = arith.addi %mul3A_7, %add3A_13 : i32
    %dma_start3A_15 = arith.constant 0 : i32
    %dma_start3A_16 = tpu.memref_slice %arg2[%add3A_14, %dma_start3A_15] : memref<8192x2048xf32, #tpu.memory_space<hbm>> -> memref<32x2048xf32, #tpu.memory_space<hbm>>
    %dma_start3A_17 = arith.constant 0 : i32
    %dma_start3A_18 = tpu.memref_slice %arg2[%add3A_14, %dma_start3A_17] : memref<8192x2048xf32, #tpu.memory_space<hbm>> -> memref<32x2048xf32, #tpu.memory_space<hbm>>
    tpu.enqueue_dma source(%arg3 : memref<32x2048xf32, #tpu.memory_space<vmem>>) target(%dma_start3A_18 : memref<32x2048xf32, #tpu.memory_space<hbm>>) target_semaphore(%arg4 : memref<!tpu.dma_semaphore, #tpu.memory_space<semaphore_mem>>)
    %add3A_19 = arith.constant 64 : i32
    %add3A_20 = arith.addi %mul3A_7, %add3A_19 : i32
    %dma_start3A_21 = arith.constant 0 : i32
    %dma_start3A_22 = tpu.memref_slice %arg2[%add3A_20, %dma_start3A_21] : memref<8192x2048xf32, #tpu.memory_space<hbm>> -> memref<32x2048xf32, #tpu.memory_space<hbm>>
    %dma_start3A_23 = arith.constant 0 : i32
    %dma_start3A_24 = tpu.memref_slice %arg2[%add3A_20, %dma_start3A_23] : memref<8192x2048xf32, #tpu.memory_space<hbm>> -> memref<32x2048xf32, #tpu.memory_space<hbm>>
    tpu.enqueue_dma source(%arg3 : memref<32x2048xf32, #tpu.memory_space<vmem>>) target(%dma_start3A_24 : memref<32x2048xf32, #tpu.memory_space<hbm>>) target_semaphore(%arg4 : memref<!tpu.dma_semaphore, #tpu.memory_space<semaphore_mem>>)
    %add3A_25 = arith.constant 96 : i32
    %add3A_26 = arith.addi %mul3A_7, %add3A_25 : i32
    %dma_start3A_27 = arith.constant 0 : i32
    %dma_start3A_28 = tpu.memref_slice %arg2[%add3A_26, %dma_start3A_27] : memref<8192x2048xf32, #tpu.memory_space<hbm>> -> memref<32x2048xf32, #tpu.memory_space<hbm>>
    %dma_start3A_29 = arith.constant 0 : i32
    %dma_start3A_30 = tpu.memref_slice %arg2[%add3A_26, %dma_start3A_29] : memref<8192x2048xf32, #tpu.memory_space<hbm>> -> memref<32x2048xf32, #tpu.memory_space<hbm>>
    tpu.enqueue_dma source(%arg3 : memref<32x2048xf32, #tpu.memory_space<vmem>>) target(%dma_start3A_30 : memref<32x2048xf32, #tpu.memory_space<hbm>>) target_semaphore(%arg4 : memref<!tpu.dma_semaphore, #tpu.memory_space<semaphore_mem>>)
    %add3A_31 = arith.constant 128 : i32
    %add3A_32 = arith.addi %mul3A_7, %add3A_31 : i32
    %dma_start3A_33 = arith.constant 0 : i32
    %dma_start3A_34 = tpu.memref_slice %arg2[%add3A_32, %dma_start3A_33] : memref<8192x2048xf32, #tpu.memory_space<hbm>> -> memref<32x2048xf32, #tpu.memory_space<hbm>>
    %dma_start3A_35 = arith.constant 0 : i32
    %dma_start3A_36 = tpu.memref_slice %arg2[%add3A_32, %dma_start3A_35] : memref<8192x2048xf32, #tpu.memory_space<hbm>> -> memref<32x2048xf32, #tpu.memory_space<hbm>>
    tpu.enqueue_dma source(%arg3 : memref<32x2048xf32, #tpu.memory_space<vmem>>) target(%dma_start3A_36 : memref<32x2048xf32, #tpu.memory_space<hbm>>) target_semaphore(%arg4 : memref<!tpu.dma_semaphore, #tpu.memory_space<semaphore_mem>>)
    %add3A_37 = arith.constant 160 : i32
    %add3A_38 = arith.addi %mul3A_7, %add3A_37 : i32
    %dma_start3A_39 = arith.constant 0 : i32
    %dma_start3A_40 = tpu.memref_slice %arg2[%add3A_38, %dma_start3A_39] : memref<8192x2048xf32, #tpu.memory_space<hbm>> -> memref<32x2048xf32, #tpu.memory_space<hbm>>
    %dma_start3A_41 = arith.constant 0 : i32
    %dma_start3A_42 = tpu.memref_slice %arg2[%add3A_38, %dma_start3A_41] : memref<8192x2048xf32, #tpu.memory_space<hbm>> -> memref<32x2048xf32, #tpu.memory_space<hbm>>
    tpu.enqueue_dma source(%arg3 : memref<32x2048xf32, #tpu.memory_space<vmem>>) target(%dma_start3A_42 : memref<32x2048xf32, #tpu.memory_space<hbm>>) target_semaphore(%arg4 : memref<!tpu.dma_semaphore, #tpu.memory_space<semaphore_mem>>)
    %add3A_43 = arith.constant 192 : i32
    %add3A_44 = arith.addi %mul3A_7, %add3A_43 : i32
    %dma_start3A_45 = arith.constant 0 : i32
    %dma_start3A_46 = tpu.memref_slice %arg2[%add3A_44, %dma_start3A_45] : memref<8192x2048xf32, #tpu.memory_space<hbm>> -> memref<32x2048xf32, #tpu.memory_space<hbm>>
    %dma_start3A_47 = arith.constant 0 : i32
    %dma_start3A_48 = tpu.memref_slice %arg2[%add3A_44, %dma_start3A_47] : memref<8192x2048xf32, #tpu.memory_space<hbm>> -> memref<32x2048xf32, #tpu.memory_space<hbm>>
    tpu.enqueue_dma source(%arg3 : memref<32x2048xf32, #tpu.memory_space<vmem>>) target(%dma_start3A_48 : memref<32x2048xf32, #tpu.memory_space<hbm>>) target_semaphore(%arg4 : memref<!tpu.dma_semaphore, #tpu.memory_space<semaphore_mem>>)
    %add3A_49 = arith.constant 224 : i32
    %add3A_50 = arith.addi %mul3A_7, %add3A_49 : i32
    %dma_start3A_51 = arith.constant 0 : i32
    %dma_start3A_52 = tpu.memref_slice %arg2[%add3A_50, %dma_start3A_51] : memref<8192x2048xf32, #tpu.memory_space<hbm>> -> memref<32x2048xf32, #tpu.memory_space<hbm>>
    %dma_start3A_53 = arith.constant 0 : i32
    %dma_start3A_54 = tpu.memref_slice %arg2[%add3A_50, %dma_start3A_53] : memref<8192x2048xf32, #tpu.memory_space<hbm>> -> memref<32x2048xf32, #tpu.memory_space<hbm>>
    tpu.enqueue_dma source(%arg3 : memref<32x2048xf32, #tpu.memory_space<vmem>>) target(%dma_start3A_54 : memref<32x2048xf32, #tpu.memory_space<hbm>>) target_semaphore(%arg4 : memref<!tpu.dma_semaphore, #tpu.memory_space<semaphore_mem>>)
    %add3A_55 = arith.constant 0 : i32
    %add3A_56 = arith.addi %mul3A_7, %add3A_55 : i32
    %dma_wait3A = arith.constant 0 : i32
    %dma_wait3A_57 = tpu.memref_slice %arg2[%add3A_56, %dma_wait3A] : memref<8192x2048xf32, #tpu.memory_space<hbm>> -> memref<32x2048xf32, #tpu.memory_space<hbm>>
    %dma_wait3A_58 = arith.constant 0 : i32
    %dma_wait3A_59 = tpu.memref_slice %arg2[%add3A_56, %dma_wait3A_58] : memref<8192x2048xf32, #tpu.memory_space<hbm>> -> memref<32x2048xf32, #tpu.memory_space<hbm>>
    tpu.wait_dma2 semaphore(%arg4 : memref<!tpu.dma_semaphore, #tpu.memory_space<semaphore_mem>>) src(%arg3 : memref<32x2048xf32, #tpu.memory_space<vmem>>) dst(%dma_wait3A_59 : memref<32x2048xf32, #tpu.memory_space<hbm>>)
    %add3A_60 = arith.constant 32 : i32
    %add3A_61 = arith.addi %mul3A_7, %add3A_60 : i32
    %dma_wait3A_62 = arith.constant 0 : i32
    %dma_wait3A_63 = tpu.memref_slice %arg2[%add3A_61, %dma_wait3A_62] : memref<8192x2048xf32, #tpu.memory_space<hbm>> -> memref<32x2048xf32, #tpu.memory_space<hbm>>
    %dma_wait3A_64 = arith.constant 0 : i32
    %dma_wait3A_65 = tpu.memref_slice %arg2[%add3A_61, %dma_wait3A_64] : memref<8192x2048xf32, #tpu.memory_space<hbm>> -> memref<32x2048xf32, #tpu.memory_space<hbm>>
    tpu.wait_dma2 semaphore(%arg4 : memref<!tpu.dma_semaphore, #tpu.memory_space<semaphore_mem>>) src(%arg3 : memref<32x2048xf32, #tpu.memory_space<vmem>>) dst(%dma_wait3A_65 : memref<32x2048xf32, #tpu.memory_space<hbm>>)
    %add3A_66 = arith.constant 64 : i32
    %add3A_67 = arith.addi %mul3A_7, %add3A_66 : i32
    %dma_wait3A_68 = arith.constant 0 : i32
    %dma_wait3A_69 = tpu.memref_slice %arg2[%add3A_67, %dma_wait3A_68] : memref<8192x2048xf32, #tpu.memory_space<hbm>> -> memref<32x2048xf32, #tpu.memory_space<hbm>>
    %dma_wait3A_70 = arith.constant 0 : i32
    %dma_wait3A_71 = tpu.memref_slice %arg2[%add3A_67, %dma_wait3A_70] : memref<8192x2048xf32, #tpu.memory_space<hbm>> -> memref<32x2048xf32, #tpu.memory_space<hbm>>
    tpu.wait_dma2 semaphore(%arg4 : memref<!tpu.dma_semaphore, #tpu.memory_space<semaphore_mem>>) src(%arg3 : memref<32x2048xf32, #tpu.memory_space<vmem>>) dst(%dma_wait3A_71 : memref<32x2048xf32, #tpu.memory_space<hbm>>)
    %add3A_72 = arith.constant 96 : i32
    %add3A_73 = arith.addi %mul3A_7, %add3A_72 : i32
    %dma_wait3A_74 = arith.constant 0 : i32
    %dma_wait3A_75 = tpu.memref_slice %arg2[%add3A_73, %dma_wait3A_74] : memref<8192x2048xf32, #tpu.memory_space<hbm>> -> memref<32x2048xf32, #tpu.memory_space<hbm>>
    %dma_wait3A_76 = arith.constant 0 : i32
    %dma_wait3A_77 = tpu.memref_slice %arg2[%add3A_73, %dma_wait3A_76] : memref<8192x2048xf32, #tpu.memory_space<hbm>> -> memref<32x2048xf32, #tpu.memory_space<hbm>>
    tpu.wait_dma2 semaphore(%arg4 : memref<!tpu.dma_semaphore, #tpu.memory_space<semaphore_mem>>) src(%arg3 : memref<32x2048xf32, #tpu.memory_space<vmem>>) dst(%dma_wait3A_77 : memref<32x2048xf32, #tpu.memory_space<hbm>>)
    %add3A_78 = arith.constant 128 : i32
    %add3A_79 = arith.addi %mul3A_7, %add3A_78 : i32
    %dma_wait3A_80 = arith.constant 0 : i32
    %dma_wait3A_81 = tpu.memref_slice %arg2[%add3A_79, %dma_wait3A_80] : memref<8192x2048xf32, #tpu.memory_space<hbm>> -> memref<32x2048xf32, #tpu.memory_space<hbm>>
    %dma_wait3A_82 = arith.constant 0 : i32
    %dma_wait3A_83 = tpu.memref_slice %arg2[%add3A_79, %dma_wait3A_82] : memref<8192x2048xf32, #tpu.memory_space<hbm>> -> memref<32x2048xf32, #tpu.memory_space<hbm>>
    tpu.wait_dma2 semaphore(%arg4 : memref<!tpu.dma_semaphore, #tpu.memory_space<semaphore_mem>>) src(%arg3 : memref<32x2048xf32, #tpu.memory_space<vmem>>) dst(%dma_wait3A_83 : memref<32x2048xf32, #tpu.memory_space<hbm>>)
    %add3A_84 = arith.constant 160 : i32
    %add3A_85 = arith.addi %mul3A_7, %add3A_84 : i32
    %dma_wait3A_86 = arith.constant 0 : i32
    %dma_wait3A_87 = tpu.memref_slice %arg2[%add3A_85, %dma_wait3A_86] : memref<8192x2048xf32, #tpu.memory_space<hbm>> -> memref<32x2048xf32, #tpu.memory_space<hbm>>
    %dma_wait3A_88 = arith.constant 0 : i32
    %dma_wait3A_89 = tpu.memref_slice %arg2[%add3A_85, %dma_wait3A_88] : memref<8192x2048xf32, #tpu.memory_space<hbm>> -> memref<32x2048xf32, #tpu.memory_space<hbm>>
    tpu.wait_dma2 semaphore(%arg4 : memref<!tpu.dma_semaphore, #tpu.memory_space<semaphore_mem>>) src(%arg3 : memref<32x2048xf32, #tpu.memory_space<vmem>>) dst(%dma_wait3A_89 : memref<32x2048xf32, #tpu.memory_space<hbm>>)
    %add3A_90 = arith.constant 192 : i32
    %add3A_91 = arith.addi %mul3A_7, %add3A_90 : i32
    %dma_wait3A_92 = arith.constant 0 : i32
    %dma_wait3A_93 = tpu.memref_slice %arg2[%add3A_91, %dma_wait3A_92] : memref<8192x2048xf32, #tpu.memory_space<hbm>> -> memref<32x2048xf32, #tpu.memory_space<hbm>>
    %dma_wait3A_94 = arith.constant 0 : i32
    %dma_wait3A_95 = tpu.memref_slice %arg2[%add3A_91, %dma_wait3A_94] : memref<8192x2048xf32, #tpu.memory_space<hbm>> -> memref<32x2048xf32, #tpu.memory_space<hbm>>
    tpu.wait_dma2 semaphore(%arg4 : memref<!tpu.dma_semaphore, #tpu.memory_space<semaphore_mem>>) src(%arg3 : memref<32x2048xf32, #tpu.memory_space<vmem>>) dst(%dma_wait3A_95 : memref<32x2048xf32, #tpu.memory_space<hbm>>)
    %add3A_96 = arith.constant 224 : i32
    %add3A_97 = arith.addi %mul3A_7, %add3A_96 : i32
    %dma_wait3A_98 = arith.constant 0 : i32
    %dma_wait3A_99 = tpu.memref_slice %arg2[%add3A_97, %dma_wait3A_98] : memref<8192x2048xf32, #tpu.memory_space<hbm>> -> memref<32x2048xf32, #tpu.memory_space<hbm>>
    %dma_wait3A_100 = arith.constant 0 : i32
    %dma_wait3A_101 = tpu.memref_slice %arg2[%add3A_97, %dma_wait3A_100] : memref<8192x2048xf32, #tpu.memory_space<hbm>> -> memref<32x2048xf32, #tpu.memory_space<hbm>>
    tpu.wait_dma2 semaphore(%arg4 : memref<!tpu.dma_semaphore, #tpu.memory_space<semaphore_mem>>) src(%arg3 : memref<32x2048xf32, #tpu.memory_space<vmem>>) dst(%dma_wait3A_101 : memref<32x2048xf32, #tpu.memory_space<hbm>>)
    return
  }
}

module attributes {stable_mosaic.version = 14 : i64} {
  func.func @_router_body(%arg0: i32, %arg1: memref<1024x2048xf32, #tpu.memory_space<vmem>>, %arg2: memref<2048x128xf32, #tpu.memory_space<vmem>>, %arg3: memref<1x128xf32, #tpu.memory_space<vmem>>, %arg4: memref<1x1x128xf32, #tpu.memory_space<vmem>>, %arg5: memref<1x1x1xf32, #tpu.memory_space<vmem>>) attributes {dimension_semantics = [#tpu.dimension_semantics<parallel>], iteration_bounds = array<i64: 8>, scalar_prefetch = 0 : i64, scratch_operands = 0 : i64, tpu.core_type = #tpu.core_type<tc>, window_params = [{transform_indices = @transform_0, window_bounds = array<i64: 1024, 2048>}, {pipeline_mode = #tpu.pipeline_mode<synchronous>, transform_indices = @transform_1, window_bounds = array<i64: 2048, 128>}, {pipeline_mode = #tpu.pipeline_mode<synchronous>, transform_indices = @transform_2, window_bounds = array<i64: 1, 128>}, {transform_indices = @transform_3, window_bounds = array<i64: 1, 1, 128>}, {transform_indices = @transform_4, window_bounds = array<i64: 1, 1, 1>}]} {
    %get3A = arith.constant 0 : index
    %get3A_0 = arith.constant 0 : index
    %get3A_1 = vector.load %arg1[%get3A, %get3A_0] : memref<1024x2048xf32, #tpu.memory_space<vmem>>, vector<1024x2048xf32>
    %get3A_2 = arith.constant 0 : index
    %get3A_3 = arith.constant 0 : index
    %get3A_4 = vector.load %arg2[%get3A_2, %get3A_3] : memref<2048x128xf32, #tpu.memory_space<vmem>>, vector<2048x128xf32>
    %dot_general3A = arith.constant dense<0.000000e+00> : vector<1024x128xf32>
    %dot_general3A_5 = tpu.matmul %get3A_1, %get3A_4, %dot_general3A {dimension_numbers = #tpu.dot_dimension_numbers<[1], [0], [0], [1], [0, 0, 1, 1], [], []>, transpose_lhs_hint = false} : vector<1024x2048xf32>, vector<2048x128xf32>, vector<1024x128xf32> -> vector<1024x128xf32>
    %get3A_6 = arith.constant 0 : index
    %get3A_7 = arith.constant 0 : index
    %get3A_8 = vector.load %arg3[%get3A_6, %get3A_7] : memref<1x128xf32, #tpu.memory_space<vmem>>, vector<1x128xf32>
    %add3A = vector.broadcast %get3A_8 : vector<1x128xf32> to vector<1024x128xf32>
    %add3A_9 = arith.addf %dot_general3A_5, %add3A : vector<1024x128xf32>
    %reduce_max3A = arith.constant dense<0xFF800000> : vector<1024xf32>
    %reduce_max3A_10 = vector.multi_reduction <maximumf>, %add3A_9, %reduce_max3A [1] : vector<1024x128xf32> to vector<1024xf32>
    %broadcast_in_dim3A = vector.shape_cast %reduce_max3A_10 : vector<1024xf32> to vector<1024x1xf32>
    %reduce_sum3A = vector.shape_cast %broadcast_in_dim3A : vector<1024x1xf32> to vector<1x1024x1xf32>
    %reduce_sum3A_11 = arith.constant dense<0.000000e+00> : vector<1xf32>
    %reduce_sum3A_12 = vector.multi_reduction <add>, %reduce_sum3A, %reduce_sum3A_11 [1, 2] : vector<1x1024x1xf32> to vector<1xf32>
    %reduce_sum3A_13 = vector.shape_cast %reduce_sum3A_12 : vector<1xf32> to vector<1x1x1xf32>
    %reduce_sum3A_14 = vector.extract %reduce_sum3A_13[0, 0, 0] : f32 from vector<1x1x1xf32>
    %reshape3A = vector.broadcast %reduce_sum3A_14 : f32 to vector<1x1x1xf32>
    %swap3A = arith.constant 0 : index
    %swap3A_15 = arith.constant 0 : index
    %swap3A_16 = arith.constant 0 : index
    %swap3A_17 = vector.load %arg5[%swap3A, %swap3A_15, %swap3A_16] : memref<1x1x1xf32, #tpu.memory_space<vmem>>, vector<1x1x1xf32>
    tpu.vector_store %arg5[%swap3A, %swap3A_15, %swap3A_16], %reshape3A {strides = array<i32>} : memref<1x1x1xf32, #tpu.memory_space<vmem>>, vector<1x1x1xf32>,
    %ge3A = vector.broadcast %broadcast_in_dim3A : vector<1024x1xf32> to vector<1024x128xf32>
    %ge3A_18 = arith.cmpf oge, %add3A_9, %ge3A : vector<1024x128xf32>
    %jit3A = arith.constant -1.000000e+30 : f32
    %broadcast_in_dim3A_19 = vector.broadcast %jit3A : f32 to vector<1024x128xf32>
    %select_n3A = arith.select %ge3A_18, %broadcast_in_dim3A_19, %add3A_9 : vector<1024x128xi1>, vector<1024x128xf32>
    %reduce_max3A_20 = arith.constant dense<0xFF800000> : vector<1024xf32>
    %reduce_max3A_21 = vector.multi_reduction <maximumf>, %select_n3A, %reduce_max3A_20 [1] : vector<1024x128xf32> to vector<1024xf32>
    %broadcast_in_dim3A_22 = vector.shape_cast %reduce_max3A_21 : vector<1024xf32> to vector<1024x1xf32>
    %ge3A_23 = vector.broadcast %broadcast_in_dim3A_22 : vector<1024x1xf32> to vector<1024x128xf32>
    %ge3A_24 = arith.cmpf oge, %select_n3A, %ge3A_23 : vector<1024x128xf32>
    %jit3A_25 = arith.constant -1.000000e+30 : f32
    %broadcast_in_dim3A_26 = vector.broadcast %jit3A_25 : f32 to vector<1024x128xf32>
    %select_n3A_27 = arith.select %ge3A_24, %broadcast_in_dim3A_26, %select_n3A : vector<1024x128xi1>, vector<1024x128xf32>
    %reduce_max3A_28 = arith.constant dense<0xFF800000> : vector<1024xf32>
    %reduce_max3A_29 = vector.multi_reduction <maximumf>, %select_n3A_27, %reduce_max3A_28 [1] : vector<1024x128xf32> to vector<1024xf32>
    %broadcast_in_dim3A_30 = vector.shape_cast %reduce_max3A_29 : vector<1024xf32> to vector<1024x1xf32>
    %ge3A_31 = vector.broadcast %broadcast_in_dim3A_30 : vector<1024x1xf32> to vector<1024x128xf32>
    %ge3A_32 = arith.cmpf oge, %select_n3A_27, %ge3A_31 : vector<1024x128xf32>
    %jit3A_33 = arith.constant -1.000000e+30 : f32
    %broadcast_in_dim3A_34 = vector.broadcast %jit3A_33 : f32 to vector<1024x128xf32>
    %select_n3A_35 = arith.select %ge3A_32, %broadcast_in_dim3A_34, %select_n3A_27 : vector<1024x128xi1>, vector<1024x128xf32>
    %reduce_max3A_36 = arith.constant dense<0xFF800000> : vector<1024xf32>
    %reduce_max3A_37 = vector.multi_reduction <maximumf>, %select_n3A_35, %reduce_max3A_36 [1] : vector<1024x128xf32> to vector<1024xf32>
    %broadcast_in_dim3A_38 = vector.shape_cast %reduce_max3A_37 : vector<1024xf32> to vector<1024x1xf32>
    %ge3A_39 = vector.broadcast %broadcast_in_dim3A_38 : vector<1024x1xf32> to vector<1024x128xf32>
    %ge3A_40 = arith.cmpf oge, %select_n3A_35, %ge3A_39 : vector<1024x128xf32>
    %jit3A_41 = arith.constant -1.000000e+30 : f32
    %broadcast_in_dim3A_42 = vector.broadcast %jit3A_41 : f32 to vector<1024x128xf32>
    %select_n3A_43 = arith.select %ge3A_40, %broadcast_in_dim3A_42, %select_n3A_35 : vector<1024x128xi1>, vector<1024x128xf32>
    %reduce_max3A_44 = arith.constant dense<0xFF800000> : vector<1024xf32>
    %reduce_max3A_45 = vector.multi_reduction <maximumf>, %select_n3A_43, %reduce_max3A_44 [1] : vector<1024x128xf32> to vector<1024xf32>
    %broadcast_in_dim3A_46 = vector.shape_cast %reduce_max3A_45 : vector<1024xf32> to vector<1024x1xf32>
    %ge3A_47 = vector.broadcast %broadcast_in_dim3A_46 : vector<1024x1xf32> to vector<1024x128xf32>
    %ge3A_48 = arith.cmpf oge, %select_n3A_43, %ge3A_47 : vector<1024x128xf32>
    %jit3A_49 = arith.constant -1.000000e+30 : f32
    %broadcast_in_dim3A_50 = vector.broadcast %jit3A_49 : f32 to vector<1024x128xf32>
    %select_n3A_51 = arith.select %ge3A_48, %broadcast_in_dim3A_50, %select_n3A_43 : vector<1024x128xi1>, vector<1024x128xf32>
    %reduce_max3A_52 = arith.constant dense<0xFF800000> : vector<1024xf32>
    %reduce_max3A_53 = vector.multi_reduction <maximumf>, %select_n3A_51, %reduce_max3A_52 [1] : vector<1024x128xf32> to vector<1024xf32>
    %broadcast_in_dim3A_54 = vector.shape_cast %reduce_max3A_53 : vector<1024xf32> to vector<1024x1xf32>
    %ge3A_55 = vector.broadcast %broadcast_in_dim3A_54 : vector<1024x1xf32> to vector<1024x128xf32>
    %ge3A_56 = arith.cmpf oge, %select_n3A_51, %ge3A_55 : vector<1024x128xf32>
    %jit3A_57 = arith.constant -1.000000e+30 : f32
    %broadcast_in_dim3A_58 = vector.broadcast %jit3A_57 : f32 to vector<1024x128xf32>
    %select_n3A_59 = arith.select %ge3A_56, %broadcast_in_dim3A_58, %select_n3A_51 : vector<1024x128xi1>, vector<1024x128xf32>
    %reduce_max3A_60 = arith.constant dense<0xFF800000> : vector<1024xf32>
    %reduce_max3A_61 = vector.multi_reduction <maximumf>, %select_n3A_59, %reduce_max3A_60 [1] : vector<1024x128xf32> to vector<1024xf32>
    %broadcast_in_dim3A_62 = vector.shape_cast %reduce_max3A_61 : vector<1024xf32> to vector<1024x1xf32>
    %ge3A_63 = vector.broadcast %broadcast_in_dim3A_62 : vector<1024x1xf32> to vector<1024x128xf32>
    %ge3A_64 = arith.cmpf oge, %select_n3A_59, %ge3A_63 : vector<1024x128xf32>
    %jit3A_65 = arith.constant -1.000000e+30 : f32
    %broadcast_in_dim3A_66 = vector.broadcast %jit3A_65 : f32 to vector<1024x128xf32>
    %select_n3A_67 = arith.select %ge3A_64, %broadcast_in_dim3A_66, %select_n3A_59 : vector<1024x128xi1>, vector<1024x128xf32>
    %reduce_max3A_68 = arith.constant dense<0xFF800000> : vector<1024xf32>
    %reduce_max3A_69 = vector.multi_reduction <maximumf>, %select_n3A_67, %reduce_max3A_68 [1] : vector<1024x128xf32> to vector<1024xf32>
    %broadcast_in_dim3A_70 = vector.shape_cast %reduce_max3A_69 : vector<1024xf32> to vector<1024x1xf32>
    %ge3A_71 = vector.broadcast %broadcast_in_dim3A_70 : vector<1024x1xf32> to vector<1024x128xf32>
    %ge3A_72 = arith.cmpf oge, %add3A_9, %ge3A_71 : vector<1024x128xf32>
    %convert_element_type3A = arith.extui %ge3A_72 : vector<1024x128xi1> to vector<1024x128xi32>
    %convert_element_type3A_73 = arith.sitofp %convert_element_type3A : vector<1024x128xi32> to vector<1024x128xf32>
    %reduce_sum3A_74 = arith.constant dense<0.000000e+00> : vector<128xf32>
    %reduce_sum3A_75 = vector.multi_reduction <add>, %convert_element_type3A_73, %reduce_sum3A_74 [0] : vector<1024x128xf32> to vector<128xf32>
    %reshape3A_76 = vector.shape_cast %reduce_sum3A_75 : vector<128xf32> to vector<1x1x128xf32>
    %swap3A_77 = arith.constant 0 : index
    %swap3A_78 = arith.constant 0 : index
    %swap3A_79 = arith.constant 0 : index
    %swap3A_80 = vector.load %arg4[%swap3A_77, %swap3A_78, %swap3A_79] : memref<1x1x128xf32, #tpu.memory_space<vmem>>, vector<1x1x128xf32>
    tpu.vector_store %arg4[%swap3A_77, %swap3A_78, %swap3A_79], %reshape3A_76 {strides = array<i32>} : memref<1x1x128xf32, #tpu.memory_space<vmem>>, vector<1x1x128xf32>,
    return
  }
  func.func @transform_0(%arg0: i32) -> (i32, i32) {
    %c0_i32 = arith.constant 0 : i32
    %c0_i32_0 = arith.constant 0 : i32
    return %arg0, %c0_i32 : i32, i32
  }
  func.func @transform_1(%arg0: i32) -> (i32, i32) {
    %c0_i32 = arith.constant 0 : i32
    %c0_i32_0 = arith.constant 0 : i32
    %c0_i32_1 = arith.constant 0 : i32
    return %c0_i32, %c0_i32_0 : i32, i32
  }
  func.func @transform_2(%arg0: i32) -> (i32, i32) {
    %c0_i32 = arith.constant 0 : i32
    %c0_i32_0 = arith.constant 0 : i32
    %c0_i32_1 = arith.constant 0 : i32
    return %c0_i32, %c0_i32_0 : i32, i32
  }
  func.func @transform_3(%arg0: i32) -> (i32, i32, i32) {
    %c0_i32 = arith.constant 0 : i32
    %c0_i32_0 = arith.constant 0 : i32
    %c0_i32_1 = arith.constant 0 : i32
    return %arg0, %c0_i32, %c0_i32_0 : i32, i32, i32
  }
  func.func @transform_4(%arg0: i32) -> (i32, i32, i32) {
    %c0_i32 = arith.constant 0 : i32
    %c0_i32_0 = arith.constant 0 : i32
    %c0_i32_1 = arith.constant 0 : i32
    return %arg0, %c0_i32, %c0_i32_0 : i32, i32, i32
  }
}

module attributes {stable_mosaic.version = 14 : i64} {
  func.func @_stats_body(%arg0: memref<8x1x128xf32, #tpu.memory_space<vmem>>, %arg1: memref<8x1x1xf32, #tpu.memory_space<vmem>>, %arg2: memref<1x1xf32, #tpu.memory_space<vmem>>, %arg3: memref<1x128xf32, #tpu.memory_space<vmem>>, %arg4: memref<1x1xf32, #tpu.memory_space<vmem>>) attributes {dimension_semantics = [], scalar_prefetch = 0 : i64, scratch_operands = 0 : i64, tpu.core_type = #tpu.core_type<tc>} {
    %get3A = arith.constant 0 : index
    %get3A_0 = arith.constant 0 : index
    %get3A_1 = arith.constant 0 : index
    %get3A_2 = vector.load %arg0[%get3A, %get3A_0, %get3A_1] : memref<8x1x128xf32, #tpu.memory_space<vmem>>, vector<8x1x128xf32>
    %reduce_sum3A = arith.constant dense<0.000000e+00> : vector<128xf32>
    %reduce_sum3A_3 = vector.multi_reduction <add>, %get3A_2, %reduce_sum3A [0, 1] : vector<8x1x128xf32> to vector<128xf32>
    %reshape3A = vector.shape_cast %reduce_sum3A_3 : vector<128xf32> to vector<1x128xf32>
    %min3A = arith.constant 1.600000e+02 : f32
    %min3A_4 = vector.broadcast %min3A : f32 to vector<1x128xf32>
    %min3A_5 = arith.minimumf %reshape3A, %min3A_4 : vector<1x128xf32>
    %reduce_sum3A_6 = vector.shape_cast %min3A_5 : vector<1x128xf32> to vector<1x1x128xf32>
    %reduce_sum3A_7 = arith.constant dense<0.000000e+00> : vector<1xf32>
    %reduce_sum3A_8 = vector.multi_reduction <add>, %reduce_sum3A_6, %reduce_sum3A_7 [1, 2] : vector<1x1x128xf32> to vector<1xf32>
    %reduce_sum3A_9 = vector.shape_cast %reduce_sum3A_8 : vector<1xf32> to vector<1x1x1xf32>
    %reduce_sum3A_10 = vector.extract %reduce_sum3A_9[0, 0, 0] : f32 from vector<1x1x1xf32>
    %add3A = arith.constant 9.99999993E-9 : f32
    %add3A_11 = arith.addf %reduce_sum3A_10, %add3A : f32
    %div3A = vector.broadcast %add3A_11 : f32 to vector<1x128xf32>
    %div3A_12 = arith.divf %min3A_5, %div3A : vector<1x128xf32>
    %swap3A = arith.constant 0 : index
    %swap3A_13 = arith.constant 0 : index
    %swap3A_14 = vector.load %arg3[%swap3A, %swap3A_13] : memref<1x128xf32, #tpu.memory_space<vmem>>, vector<1x128xf32>
    tpu.vector_store %arg3[%swap3A, %swap3A_13], %div3A_12 {strides = array<i32>} : memref<1x128xf32, #tpu.memory_space<vmem>>, vector<1x128xf32>,
    %add3A_15 = arith.constant 9.99999993E-9 : f32
    %add3A_16 = vector.broadcast %add3A_15 : f32 to vector<1x128xf32>
    %add3A_17 = arith.addf %div3A_12, %add3A_16 : vector<1x128xf32>
    %log3A = math.log %add3A_17 : vector<1x128xf32>
    %mul3A = arith.mulf %div3A_12, %log3A : vector<1x128xf32>
    %reduce_sum3A_18 = vector.shape_cast %mul3A : vector<1x128xf32> to vector<1x1x128xf32>
    %reduce_sum3A_19 = arith.constant dense<0.000000e+00> : vector<1xf32>
    %reduce_sum3A_20 = vector.multi_reduction <add>, %reduce_sum3A_18, %reduce_sum3A_19 [1, 2] : vector<1x1x128xf32> to vector<1xf32>
    %reduce_sum3A_21 = vector.shape_cast %reduce_sum3A_20 : vector<1xf32> to vector<1x1x1xf32>
    %reduce_sum3A_22 = vector.extract %reduce_sum3A_21[0, 0, 0] : f32 from vector<1x1x1xf32>
    %reshape3A_23 = vector.broadcast %reduce_sum3A_22 : f32 to vector<1x1xf32>
    %swap3A_24 = arith.constant 0 : index
    %swap3A_25 = arith.constant 0 : index
    %swap3A_26 = vector.load %arg2[%swap3A_24, %swap3A_25] : memref<1x1xf32, #tpu.memory_space<vmem>>, vector<1x1xf32>
    tpu.vector_store %arg2[%swap3A_24, %swap3A_25], %reshape3A_23 {strides = array<i32>} : memref<1x1xf32, #tpu.memory_space<vmem>>, vector<1x1xf32>,
    %get3A_27 = arith.constant 0 : index
    %get3A_28 = arith.constant 0 : index
    %get3A_29 = arith.constant 0 : index
    %get3A_30 = vector.load %arg1[%get3A_27, %get3A_28, %get3A_29] : memref<8x1x1xf32, #tpu.memory_space<vmem>>, vector<8x1x1xf32>
    %reduce_sum3A_31 = vector.shape_cast %get3A_30 : vector<8x1x1xf32> to vector<1x8x1x1xf32>
    %reduce_sum3A_32 = arith.constant dense<0.000000e+00> : vector<1xf32>
    %reduce_sum3A_33 = vector.multi_reduction <add>, %reduce_sum3A_31, %reduce_sum3A_32 [1, 2, 3] : vector<1x8x1x1xf32> to vector<1xf32>
    %reduce_sum3A_34 = vector.shape_cast %reduce_sum3A_33 : vector<1xf32> to vector<1x1x1x1xf32>
    %reduce_sum3A_35 = vector.extract %reduce_sum3A_34[0, 0, 0, 0] : f32 from vector<1x1x1x1xf32>
    %reshape3A_36 = vector.broadcast %reduce_sum3A_35 : f32 to vector<1x1xf32>
    %mul3A_37 = arith.constant 1.22070313E-4 : f32
    %mul3A_38 = vector.broadcast %mul3A_37 : f32 to vector<1x1xf32>
    %mul3A_39 = arith.mulf %reshape3A_36, %mul3A_38 : vector<1x1xf32>
    %swap3A_40 = arith.constant 0 : index
    %swap3A_41 = arith.constant 0 : index
    %swap3A_42 = vector.load %arg4[%swap3A_40, %swap3A_41] : memref<1x1xf32, #tpu.memory_space<vmem>>, vector<1x1xf32>
    tpu.vector_store %arg4[%swap3A_40, %swap3A_41], %mul3A_39 {strides = array<i32>} : memref<1x1xf32, #tpu.memory_space<vmem>>, vector<1x1xf32>,
    return
  }
}

</mosaic_0001>

<sc_bundles>
// kernel: kernel.5.cloned.1.call-start
scs
__scs_entry_jumppad:
0x0: {  	(pc) =	sbr.rel $0x88, $3  }
0x1: {  	(tag) =	ssettag $0x0;
	lr =	simm.s32 $0x1  }
0x2: {  	[smem:$0x3F9E] =	sst lr;
	_ =	strace $0xD0000000  }
0x3: {  	_ = 	snop  }
0x4: {  	_ = 	snop  }
0x5: {  	_ = 	snop  }
0x6: {  	_ = 	snop  }
0x7: {  	_ = 	snop  }
__scs_overlays_trampoline_lowered:
0x8: {  	[smem:$0x3FAD] =	sst s0  }
0x9: {  	[smem:$0x3FAE] =	sst s1  }
0xa: {  	[smem:$0x3FAF] =	sst s2  }
0xb: {  	[smem:$0x3FB0] =	sst s3  }
0xc: {  	[smem:$0x3FB1] =	sst s4  }
0xd: {  	[smem:$0x3FB2] =	sst s5  }
0xe: {  	[smem:$0x3FB3] =	sst s6  }
0xf: {  	[smem:$0x3FB4] =	sst s7  }
0x10: {  	[smem:$0x3FB5] =	sst s8  }
0x11: {  	[smem:$0x3FB6] =	sst s9;
	s0 =	simm.s32 @!p0 $0x0  }
0x12: {  	s1 =	sld [smem:$0x3F9C];
	s0 =	simm.s32 @p0 $0x1  }
0x13: {  	[smem:$0x3FB7] =	sst s0;
	s0 =	simm.s32 @!p1 $0x0  }
0x14: {  	s2 =	sld [smem:$0x3F9B];
	s0 =	simm.s32 @p1 $0x1  }
0x15: {  	[smem:$0x3FB8] =	sst s0;
	s0 =	simm.s32 @!p2 $0x0  }
0x16: {  	s3 =	sld [smem:$0x3FDB];
	s0 =	simm.s32 @p2 $0x1  }
0x17: {  	s4 =	simm.s32 $0x1BF5;
	[smem:$0x3FBA] =	sst s0  }
0x18: {  	s0 =	sld [smem:$0x3F9D];
	_ =	swait.ge [sflag:s4], $0x0  }
0x19: {  	s7 =	sld [smem:$0x3F9E]  }
0x1a: {  	s8 =	sadd.s32 $0xFFFFE003, lr  }
0x1b: {  	s9 =	sadd.s32 $0xFFFFFEF7, lr;
	s5 =	simm.s32 $0xFFFFFFFF;
	p2 =	slt.u32 s8, $0xFFFFF086  }
0x1c: {  	p1 =	slt.u32 s9, $0xF7A;
	s5 =	simm.s32 @!p2 $0x0  }
0x1d: {  	s5 =	simm.s32 @p1 $0x1;
	p0 =	seq.s32 s7, s2  }
0x1e: {  	s7 =	smul.u32 @!p0 $0xF7A, s2;
	p2 =	seq.s32 @!p0 s5, $0x0  }
0x1f: {  	s9 =	smul.u32 $0xF7A, s1;
	s8 =	simm.s32 @!p0 $0x1BF5;
	p2 =	por !p2, p0  }
0x20: {  	[sflag:s8] =	ssyncset.s32 @!p0 $0xFFFFF086;
	s6 =	sadd.s32 @!p0 s3, s7;
	s7 =	simm.s32 @!p0 $0x108  }
0x21: {  	s3 =	sadd.s32 s3, s9;
	s6 =	sadd.s32 @!p0 $0x88, s6;
	s7 =	simm.s32 @p2 $0x1082  }
0x22: {  	[simem:s7], [sflag:s8] =	dma.local @!p0 [hbm:s6], $0xF7A  }
0x23: {  	s9 =	sor.u32 $0xD0000000, s2;
	s6 =	simm.s32 $0x108;
	_ =	swait.ge @!p0 [sflag:s8], $0x0  }
0x24: {  	s3 =	sadd.s32 $0x88, s3;
	s6 =	simm.s32 @!p1 $0x1082;
	[sflag:s4] =	ssyncset.s32 $0xFFFFF086  }
0x25: {  	[simem:s6], [sflag:s4] =	dma.local [hbm:s3], $0xF7A  }
0x26: {  	[smem:$0x3F9E] =	sst s1;
	(tag) =	ssettag s2;
	_ =	strace s9  }
0x27: {  	s1 =	sld [smem:$0x3FAE]  }
0x28: {  	s2 =	sld [smem:$0x3FAF]  }
0x29: {  	s4 =	sld [smem:$0x3FB1]  }
0x2a: {  	p0 =	seq.s32 s5, $0x0;
	s5 =	sld [smem:$0x3FB2]  }
0x2b: {  	s6 =	sld [smem:$0x3FB3]  }
0x2c: {  	s7 =	sld [smem:$0x3FB4]  }
0x2d: {  	s3 =	simm.s32 $0x108;
	s8 =	sld [smem:$0x3FB5]  }
0x2e: {  	s3 =	simm.s32 @!p0 $0x1082;
	s9 =	sld [smem:$0x3FB6]  }
0x2f: {  	lr =	sadd.s32 s0, s3;
	s0 =	sld [smem:$0x3FAD]  }
0x30: {  	s3 =	sld [smem:$0x3FB0]  }
0x31: {  	[smem:$0x3FB9] =	sst s10  }
0x32: {  	s10 =	sld [smem:$0x3FB7];
	_ =	sdelay $0x3  }
0x33: {  	p0 =	seq.s32 s10, $0x1;
	s10 =	sld [smem:$0x3FB9];
	_ =	sdelay $0x3  }
0x34: {  	[smem:$0x3FB9] =	sst s10  }
0x35: {  	s10 =	sld [smem:$0x3FB8];
	_ =	sdelay $0x3  }
0x36: {  	p1 =	seq.s32 s10, $0x1;
	s10 =	sld [smem:$0x3FB9];
	_ =	sdelay $0x3  }
0x37: {  	[smem:$0x3FB9] =	sst s10  }
0x38: {  	s10 =	sld [smem:$0x3FBA]  }
0x39: {  	_ = 	snop;
	(pc) =	sbr.ind lr, $3  }
0x3a: {  	_ = 	snop  }
0x3b: {  	_ = 	snop  }
0x3c: {  	p2 =	seq.s32 s10, $0x1;
	s10 =	sld [smem:$0x3FB9]  }
0x3d: {  	_ =	shalt  }
0x3e: {  	_ =	shalt  }
0x3f: {  	_ =	shalt  }
0x40: {  	_ =	shalt  }
0x41: {  	_ =	shalt  }
0x42: {  	_ =	shalt  }
0x43: {  	_ =	shalt  }
0x44: {  	_ =	shalt  }
0x45: {  	_ =	shalt  }
0x46: {  	_ =	shalt  }
0x47: {  	_ =	shalt  }
0x48: {  	_ =	shalt  }
0x49: {  	_ =	shalt  }
0x4a: {  	_ =	shalt  }
0x4b: {  	_ =	shalt  }
0x4c: {  	_ =	shalt  }
0x4d: {  	_ =	shalt  }
0x4e: {  	_ =	shalt  }
0x4f: {  	_ =	shalt  }
0x50: {  	_ =	shalt  }
0x51: {  	_ =	shalt  }
0x52: {  	_ =	shalt  }
0x53: {  	_ =	shalt  }
0x54: {  	_ =	shalt  }
0x55: {  	_ =	shalt  }
0x56: {  	_ =	shalt  }
0x57: {  	_ =	shalt  }
0x58: {  	_ =	shalt  }
0x59: {  	_ =	shalt  }
0x5a: {  	_ =	shalt  }
0x5b: {  	_ =	shalt  }
0x5c: {  	_ =	shalt  }
0x5d: {  	_ =	shalt  }
0x5e: {  	_ =	shalt  }
0x5f: {  	_ =	shalt  }
0x60: {  	_ =	shalt  }
0x61: {  	_ =	shalt  }
0x62: {  	_ =	shalt  }
0x63: {  	_ =	shalt  }
0x64: {  	_ =	shalt  }
0x65: {  	_ =	shalt  }
0x66: {  	_ =	shalt  }
0x67: {  	_ =	shalt  }
0x68: {  	_ =	shalt  }
0x69: {  	_ =	shalt  }
0x6a: {  	_ =	shalt  }
0x6b: {  	_ =	shalt  }
0x6c: {  	_ =	shalt  }
0x6d: {  	_ =	shalt  }
0x6e: {  	_ =	shalt  }
0x6f: {  	_ =	shalt  }
0x70: {  	_ =	shalt  }
0x71: {  	_ =	shalt  }
0x72: {  	_ =	shalt  }
0x73: {  	_ =	shalt  }
0x74: {  	_ =	shalt  }
0x75: {  	_ =	shalt  }
0x76: {  	_ =	shalt  }
0x77: {  	_ =	shalt  }
0x78: {  	_ =	shalt  }
0x79: {  	_ =	shalt  }
0x7a: {  	_ =	shalt  }
0x7b: {  	_ =	shalt  }
0x7c: {  	_ =	shalt  }
0x7d: {  	_ =	shalt  }
0x7e: {  	_ =	shalt  }
0x7f: {  	_ =	shalt  }
0x80: {  	_ =	shalt  }
0x81: {  	_ =	shalt  }
0x82: {  	_ =	shalt  }
0x83: {  	_ =	shalt  }
0x84: {  	_ =	shalt  }
0x85: {  	_ =	shalt  }
0x86: {  	_ =	shalt  }
0x87: {  	_ =	shalt  }
.Lfunc_end0:
.L_simem_size_0:
called_computation_lowered:
.L_overlay_start_0:
0x88: {  	s2 =	sld [smem:$0x3FD9]  }
0x89: {  	s3 =	sld [smem:$0x3FFE];
	_ =	sdelay $0x1  }
0x8a: {  	s1 =	srdreg.scid  }
0x8b: {  	s0 =	sand.u32 $0x1, s1  }
0x8c: {  	s15 =	sshll.u32 s0, $0xA;
	s2 =	sadd.s32 s3, s2  }
0x8d: {  	s2 =	sadd.s32 s2, s15  }
0x8e: {  	[smem:$0x3FC5] =	sst s2  }
0x8f: {  	_ = 	snop  }
0x90: {  	s2 =	sld [smem:$0x3FD0];
	_ =	sdelay $0x2  }
0x91: {  	s16 =	simm.s32 $0xA;
	s4 =	simm.s32 $0x10  }
0x92: {  	[smem:s4], [sflag:s16] =	dma.local [hbm:s2], $0x1  }
0x93: {  	_ =	swait.eq [sflag:s16], $0x1  }
0x94: {  	[sflag:s16] =	ssyncset.done $0x0  }
0x95: {  	[sflag:s16] =	ssyncadd.s32 $0xFFFFFFFF  }
0x96: {  	s17 =	sld [smem:$0x10];
	(tm) =	ssettm $0x1  }
0x97: {  	s18 =	sld [smem:$0x3FFB];
	_ =	sdelay $0x3  }
0x98: {  	_ =	strace s18  }
0x99: {  	s3 =	sld [smem:$0x3FFC];
	_ =	sdelay $0x3  }
0x9a: {  	_ =	strace s3  }
0x9b: {  	s3 =	sld [smem:$0x3FFD];
	_ =	sdelay $0x3  }
0x9c: {  	_ =	strace s3  }
0x9d: {  	_ =	strace $0x8FFFFFFF  }
0x9e: {  	s19 =	sld [smem:$0x3FDB];
	_ =	sdelay $0x1  }
0x9f: {  	s20 =	simm.s32 $_scs_section_size  }
0xa0: {  	s5 =	simm.s32 $_size__tile_overlayer_lowered;
	s6 =	simm.s32 $_tile_overlayer_lowered  }
0xa1: {  	s23 =	simm.s32 $0x1BFF;
	s22 =	sshll.u32 s6, $0x1;
	s3 =	sadd.s32 s20, s19  }
0xa2: {  	s7 =	simm.s32 $0x0;
	s21 =	sshll.u32 s5, $0x1;
	s5 =	sadd.s32 s22, s3  }
0xa3: {  	[timem:s7], [sflag:s23] =	dma.local [hbm:s5], s21  }
0xa4: {  	_ =	swait.ge [sflag:s23], s21  }
0xa5: {  	s4 =	ssub.s32 $0x0, s21;
	[sflag:s23] =	ssyncset.done $0x0  }
0xa6: {  	[sflag:s23] =	ssyncadd.s32 s4;
	_ =	sdelay $0x1  }
0xa7: {  	s24 =	simm.s32 $0x1B8B  }
0xa8: {  	_ =	swait.ge [sflag:s24], $0x1  }
0xa9: {  	[sflag:s24] =	ssyncset.done $0x0  }
0xaa: {  	s25 =	simm.s32 $0x1B8E;
	[sflag:s24] =	ssyncadd.s32 $0xFFFFFFFF  }
0xab: {  	s26 =	simm.s32 $execute0_lowered;
	[smem:$0x3FD2] =	sst s25  }
0xac: {  	s4 =	sshll.u32 s26, $0x1;
	_ =	strace $0x80000046;
	[dreg:$0x1] =	wrdreg $0xFFFFFFFF  }
0xad: {  	s28 =	simm.s32 $_size_execute0_lowered;
	s3 =	sadd.s32 s3, s4;
	[dreg:$0x0] =	wrdreg $0x0  }
0xae: {  	s4 =	sshll.u32 s28, $0x1;
	[dreg:$0x2] =	wrdreg s3  }
0xaf: {  	[dreg:$0x3] =	wrdreg s4  }
0xb0: {  	[dreg:$0x4] =	wrdreg $0xC0  }
0xb1: {  	_ =	task [dreg:s7], $0x5FFFF  }
0xb2: {  	[dreg:$0x1] =	wrdreg $0xFFFFFFFF  }
0xb3: {  	[dreg:$0x0] =	wrdreg $0x60  }
0xb4: {  	[dreg:$0x2] =	wrdreg s17  }
0xb5: {  	[dreg:$0x3] =	wrdreg $0x9  }
0xb6: {  	_ =	task.clear_ibuf [dreg:s7], $0x4FFFF;
	_ =	strace $0x90000046  }
0xb7: {  	s29 =	simm.s32 $0x9;
	_ =	strace $0x80000048  }
0xb8: {  	_ =	swait.ge [sflag:s29], $0x1  }
0xb9: {  	[sflag:s29] =	ssyncadd.s32 $0xFFFFFFFF  }
0xba: {  	_ =	strace $0x90000048  }
0xbb: {  	_ =	sfence  }
0xbc: {  	s30 =	sld [smem:$0x0];
	_ =	sdelay $0x2  }
0xbd: {  	s31 =	sshll.u32 s1, $0xD;
	s1 =	sshrl.u32 s1, $0x2  }
0xbe: {  	s3 =	sand.u32 $0x4000, s31;
	s1 =	sadd.s32 s1, s30  }
0xbf: {  	s0 =	sor.u32 s3, s0;
	s1 =	sshll.u32 s1, $0x11  }
0xc0: {  	s0 =	sor.u32 s1, s0  }
0xc1: {  	s0 =	sadd.s32 $0x8F2B, s0  }
0xc2: {  	[sflag:s0] =	ssyncadd.remote.s32 $0x1  }
0xc3: {  	_ =	sfence.sel $0xFFFF  }
0xc4: {  	[dreg:$0x0] =	wrdreg $0xFFFFFFFF;
	(pc) =	sbr.abs _section_cstart, $3  }
0xc5: {  	[dreg:$0x1] =	wrdreg $0xFFFFFFFF  }
0xc6: {  	_ =	task.clear_ibuf [dreg:s7], $0x2FFFF;
	_ =	strace $0x9FFFFFFF  }
0xc7: {  	(tm) =	ssettm $0x7FFFFFFF  }
tec
execute0_lowered:
.L_overlay_start_1:
0x0: {  	(tag) =	ssettag $0x1  }
0x1: {  	s0 =	srdreg.scid  }
0x2: {  	s3 =	rddreg [dreg:$0x0];
	s1 =	stileid.u32;
	s2 =	simm.s32 $0x0  }
0x3: {  	s12 =	simm.s32 $0x1;
	s13 =	simm.s32 $0x0;
	s4 =	sand.u32 $0x1, s0  }
0x4: {  	s0 =	rddreg [dreg:$0x1];
	s5 =	sshll.u32 s1, $0x11;
	s6 =	sshll.u32 s4, $0x10  }
0x5: {  	[smem:$0x7FF] =	sst s2;
	s4 =	ssub.s32 $0x2, s4;
	s5 =	sor.u32 s6, s5  }
0x6: {  	_ =	strace $0x80000047;
	s31 =	sshrl.u32 s4, $0x1;
	s3 =	sadd.s32 s3, s5  }
0x7: {  	s11 =	ssub.s32 s4, s31;
	s4 =	sadd.s32 $0x2000, s3;
	s5 =	sadd.s32 $0x4000, s3  }
0x8: {  	s6 =	sadd.s32 $0x6000, s3;
	s7 =	sadd.s32 $0x8000, s3;
	s8 =	sadd.s32 $0xA000, s3  }
0x9: {  	v0 =	vimm.f32 $0.0e+00;
	s9 =	sadd.s32 $0xC000, s3;
	s10 =	sadd.s32 $0xE000, s3;
	s11 =	smax.u32 s11, $0x1  }
.LBB2_1:
0xa: {  	s14 =	sand.u32 $0xC000, s2;
	s15 =	sand.u32 $0x3C00, s2  }
0xb: {  	s16 =	sand.u32 $0x380, s2;
	s14 =	sor.u32 s15, s14  }
0xc: {  	s31 =	sand.u32 $0x70, s2;
	s14 =	sor.u32 s16, s14  }
0xd: {  	s15 =	sor.u32 s31, s14  }
0xe: {  	s16 =	simm.s32 $0x0;
	s14 =	simm.s32 $0x1;
	[tilespmem:s15+$0x0] =	vst v0;
	s15 =	simm.s32 $0x10  }
.LBB2_2:
0xf: {  	s17 =	sand.u32 $0xC000, s15  }
0x10: {  	s16 =	sadd.s32 $0x80, s16;
	s18 =	smov.u32 s14;
	p0 =	sne.s32 s14, $0xFFF  }
.Ltmp0:
0x11: {  	s14 =	sadd.s32 $0x1, s14;
	s19 =	sand.u32 $0x3C00, s16;
	(pc) =	sbr.rel @p0 .LBB2_2-.Ltmp0, $4  }
0x12: {  	s18 =	sand.u32 $0x380, s18;
	s17 =	sor.u32 s19, s17  }
0x13: {  	s19 =	sand.u32 $0x70, s15;
	s17 =	sor.u32 s18, s17  }
0x14: {  	s17 =	sor.u32 s19, s17  }
0x15: {  	s15 =	sadd.s32 $0x10, s15;
	[tilespmem:s17+$0x0] =	vst v0  }
0x16: {  	[hbm4b:s3+s2] =	stream.linear.scatter [tilespmem:s2], [sflag:$0x1], $0x10000, $0x38;
	[tilespmem:$0x10000] =	vst v63  }
0x17: {  	_ = 	snop  }
0x18: {  	[hbm4b:s4+s2] =	stream.linear.scatter [tilespmem:s2], [sflag:$0x1], $0x10000, $0x38;
	[tilespmem:$0x10000] =	vst v63  }
0x19: {  	_ = 	snop  }
0x1a: {  	[hbm4b:s5+s2] =	stream.linear.scatter [tilespmem:s2], [sflag:$0x1], $0x10000, $0x38;
	[tilespmem:$0x10000] =	vst v63  }
0x1b: {  	_ = 	snop  }
0x1c: {  	[hbm4b:s6+s2] =	stream.linear.scatter [tilespmem:s2], [sflag:$0x1], $0x10000, $0x38;
	[tilespmem:$0x10000] =	vst v63  }
0x1d: {  	_ = 	snop  }
0x1e: {  	[hbm4b:s7+s2] =	stream.linear.scatter [tilespmem:s2], [sflag:$0x1], $0x10000, $0x38;
	[tilespmem:$0x10000] =	vst v63  }
0x1f: {  	_ = 	snop  }
0x20: {  	[hbm4b:s8+s2] =	stream.linear.scatter [tilespmem:s2], [sflag:$0x1], $0x10000, $0x38;
	[tilespmem:$0x10000] =	vst v63  }
0x21: {  	_ = 	snop  }
0x22: {  	[hbm4b:s9+s2] =	stream.linear.scatter [tilespmem:s2], [sflag:$0x1], $0x10000, $0x38;
	[tilespmem:$0x10000] =	vst v63  }
0x23: {  	_ = 	snop  }
0x24: {  	[hbm4b:s10+s2] =	stream.linear.scatter [tilespmem:s2], [sflag:$0x1], $0x10000, $0x38;
	[tilespmem:$0x10000] =	vst v63  }
0x25: {  	_ =	swait.ge [sflag:s12], $0x10000  }
0x26: {  	[sflag:s12] =	ssyncset.done $0x0  }
0x27: {  	[sflag:s12] =	ssyncadd.s32 $0xFFFF0000  }
0x28: {  	_ =	swait.ge [sflag:s12], $0x10000  }
0x29: {  	[sflag:s12] =	ssyncset.done $0x0  }
0x2a: {  	[sflag:s12] =	ssyncadd.s32 $0xFFFF0000  }
0x2b: {  	_ =	swait.ge [sflag:s12], $0x10000  }
0x2c: {  	[sflag:s12] =	ssyncset.done $0x0  }
0x2d: {  	[sflag:s12] =	ssyncadd.s32 $0xFFFF0000  }
0x2e: {  	_ =	swait.ge [sflag:s12], $0x10000  }
0x2f: {  	[sflag:s12] =	ssyncset.done $0x0  }
0x30: {  	[sflag:s12] =	ssyncadd.s32 $0xFFFF0000  }
0x31: {  	_ =	swait.ge [sflag:s12], $0x10000  }
0x32: {  	[sflag:s12] =	ssyncset.done $0x0  }
0x33: {  	[sflag:s12] =	ssyncadd.s32 $0xFFFF0000  }
0x34: {  	_ =	swait.ge [sflag:s12], $0x10000  }
0x35: {  	[sflag:s12] =	ssyncset.done $0x0  }
0x36: {  	s13 =	sadd.s32 $0x1, s13;
	[sflag:s12] =	ssyncadd.s32 $0xFFFF0000  }
0x37: {  	p0 =	sne.s32 s13, s11;
	_ =	swait.ge [sflag:s12], $0x10000  }
.Ltmp1:
0x38: {  	[sflag:s12] =	ssyncset.done $0x0;
	(pc) =	sbr.rel @p0 .LBB2_1-.Ltmp1, $4  }
0x39: {  	[sflag:s12] =	ssyncadd.s32 $0xFFFF0000  }
0x3a: {  	_ =	swait.ge [sflag:s12], $0x10000  }
0x3b: {  	[sflag:s12] =	ssyncset.done $0x0  }
0x3c: {  	[sflag:s12] =	ssyncadd.s32 $0xFFFF0000  }
0x3d: {  	_ =	sfence.sel $0x180000  }
0x3e: {  	[bflag:$0x0] =	sbarrier.arrive $0xFFFF  }
0x3f: {  	p0 =	sne.s32 s1, $0x0;
	_ =	strace $0x90000047  }
0x40: {  	s0 =	sadd.s32 @!p0 $0x100000, s0;
	[bflag:$0x2] =	sbarrier.arrive $0xFFFF  }
0x41: {  	[sflag:s0] =	ssyncadd.tile.s32 @!p0 $0x1;
	_ =	shalt  }
.Lfunc_end2:
_tile_overlayer_lowered:
.L_overlay_start_2:
0x42: {  	(tag) =	ssettag $0x2  }
0x43: {  	s0 =	rddreg [dreg:$0x0];
	s2 =	stileid.u32  }
0x44: {  	s1 =	rddreg [dreg:$0x1];
	p0 =	sne.s32 s2, $0x0  }
0x45: {  	s3 =	rddreg [dreg:$0x2];
	[bflag:$0x3] =	sbarrier.arrive $0xFFFF;
	s2 =	simm.s32 @!p0 $0x1C02  }
0x46: {  	[timem:s3], [sflag:s2] =	dma.local @!p0 [hbm:s0], s1  }
0x47: {  	s0 =	simm.s32 @!p0 $0x2  }
0x48: {  	_ =	swait.ge @!p0 [sflag:s0], s1  }
0x49: {  	s1 =	ssub.s32 @!p0 $0x0, s1;
	[sflag:s0] =	ssyncset.done @!p0 $0x0  }
0x4a: {  	[sflag:s0] =	ssyncadd.s32 @!p0 s1  }
0x4b: {  	[bflag:$0x3] =	sbarrier.arrive $0xFFFF  }
0x4c: {  	_ =	shalt  }

</sc_bundles>
